<compile_context>
chip_gen: v7x
topology: tpu7x:2x2x1
jax: 0.10.2.dev20260603
libtpu: 0.0.44.dev20260713+nightly
codegen_flags: <defaults>
</compile_context>

<pallas_src>
import functools

import jax
import jax.numpy as jnp
from jax import lax
from jax.experimental import pallas as pl
from jax.experimental.pallas import tpu as pltpu
from jax.experimental.pallas import tpu_sc as plsc

_NC, _NS = 2, 16
_GP = 9
_TC_BLK = 12


def _sc_body(y_hbm, out_hbm, buf, avg, s_in, s_out, s_avg):
    wid = lax.axis_index("s") * _NC + lax.axis_index("c")
    r0 = wid * 8
    pltpu.async_copy(
        y_hbm.at[pl.ds(3, _GP), pl.ds(r0, 8), :], buf, s_in).wait()
    store = pltpu.async_copy(
        buf, out_hbm.at[pl.ds(3, _GP), pl.ds(r0, 8), :], s_out)

    def _mean_step(t, carry):
        r = t // 32
        l = (t % 32) * 16
        for c in range(3):
            v = (buf[c, r, pl.ds(l, 16)]
                 + buf[c + 3, r, pl.ds(l, 16)]
                 + buf[c + 6, r, pl.ds(l, 16)]) * (1.0 / 3.0)
            avg[c, r, pl.ds(l, 16)] = v
        return carry

    lax.fori_loop(0, 8 * 32, _mean_step, 0)
    pltpu.async_copy(
        avg, out_hbm.at[pl.ds(0, 3), pl.ds(r0, 8), :], s_avg).wait()
    store.wait()


def _make_sc_call(planes, B, F):
    mesh = plsc.VectorSubcoreMesh(core_axis_name="c", subcore_axis_name="s")
    return functools.partial(
        pl.kernel,
        out_type=jax.ShapeDtypeStruct((planes, B, F), jnp.float32),
        mesh=mesh,
        scratch_types=[
            pltpu.VMEM((_GP, 8, F), jnp.float32),
            pltpu.VMEM((3, 8, F), jnp.float32),
            pltpu.SemaphoreType.DMA,
            pltpu.SemaphoreType.DMA,
            pltpu.SemaphoreType.DMA,
        ],
    )(_sc_body)


def _tc_body(x_ref, alias_ref, o_ref):
    del alias_ref
    o_ref[...] = x_ref[...]


def kernel(x):
    B, F, J, C = x.shape
    planes = J * C
    y = jnp.transpose(x, (2, 3, 0, 1)).reshape(planes, B, F)
    out0 = _make_sc_call(planes, B, F)(y)
    out = pl.pallas_call(
        _tc_body,
        grid=((planes - 12) // _TC_BLK,),
        in_specs=[
            pl.BlockSpec((_TC_BLK, B, F), lambda i: (i + 1, 0, 0)),
            pl.BlockSpec(memory_space=pl.ANY),
        ],
        out_specs=pl.BlockSpec((_TC_BLK, B, F), lambda i: (i + 1, 0, 0)),
        out_shape=jax.ShapeDtypeStruct((planes, B, F), x.dtype),
        input_output_aliases={1: 0},
    )(y, out0)
    return jnp.transpose(out.reshape(J, C, B, F), (2, 3, 0, 1))

# --- scband reference (transcript-rebuilt; emitter-appended) ---
"""Pipeline reference for scband-replace-joint-24618752540987 (READ-ONLY COPY).

The authoritative reference and input builder live on the scoring server;
editing this copy changes nothing except your own understanding.
"""

import jax, jax.numpy as jnp
import numpy as np

# Mocked dataset metadata: 52-joint skeleton (SMPL+hands style)
JOINT_NAMES = ["Hips", "LeftUpLeg", "RightUpLeg", "Spine"] + [f"Joint{i}" for i in range(4, 52)]
NUM_JOINTS = len(JOINT_NAMES)
REP_JOINT = "Hips"
REF_JOINTS = ["LeftUpLeg", "RightUpLeg", "Spine"]


def setup_inputs(seed: int = 0) -> dict:
    key = jax.random.key(seed)
    x = jax.random.normal(key, (256, 512, NUM_JOINTS, 3), dtype=jnp.float32)
    return {"x": x}


def reference(x):
    # Faithful translation of ReplaceJoint.forward:
    #   rep_joint_index = ds.joint_names.index(rep_joint)
    #   ref_joint_indices = boolean mask over joints
    #   x[..., rep_joint_index, :] = mean(x[..., ref_joint_indices, :], dim=-2)
    rep_joint_index = JOINT_NAMES.index(REP_JOINT)
    mask = np.zeros(NUM_JOINTS, dtype=bool)
    for ref_joint in REF_JOINTS:
        mask[JOINT_NAMES.index(ref_joint)] = True
    ref_indices = np.nonzero(mask)[0]  # static gather indices (trace-time constants)
    avg = jnp.mean(x[..., ref_indices, :], axis=-2)  # gather + reduce
    out = x.at[..., rep_joint_index, :].set(avg)      # scatter-overwrite
    return out

if __name__ == "__main__":
    import jax
    _d = setup_inputs()
    print(jax.jit(kernel)(*tuple(_d.values())))

</pallas_src>

<mosaic_0001>
#map = affine_map<(d0, d1) -> (0, 0, 0)>
module attributes {stable_mosaic.version = 14 : i64} {
  func.func @_sc_body(%arg0: i32, %arg1: i32, %arg2: memref<156x256x512xf32, #tpu.memory_space<hbm>>, %arg3: memref<156x256x512xf32, #tpu.memory_space<hbm>>, %arg4: memref<9x8x512xf32, #tpu.memory_space<vmem>>, %arg5: memref<3x8x512xf32, #tpu.memory_space<vmem>>, %arg6: memref<!tpu.dma_semaphore, #tpu.memory_space<semaphore_mem>>, %arg7: memref<!tpu.dma_semaphore, #tpu.memory_space<semaphore_mem>>, %arg8: memref<!tpu.dma_semaphore, #tpu.memory_space<semaphore_mem>>) attributes {dimension_semantics = [#tpu.dimension_semantics<core_parallel>, #tpu.dimension_semantics<subcore_parallel>], iteration_bounds = array<i64: 2, 16>, scalar_prefetch = 0 : i64, scratch_operands = 5 : i64, tpu.core_type = #tpu.core_type<sc_vector_subcore>, window_params = [{transform_indices = #map}, {transform_indices = #map}]} {
    %mul3A = arith.constant 2 : i32
    %mul3A_0 = arith.muli %arg1, %mul3A : i32
    %add3A = arith.addi %mul3A_0, %arg0 : i32
    %mul3A_1 = arith.constant 8 : i32
    %mul3A_2 = arith.muli %add3A, %mul3A_1 : i32
    %dma_start3A = arith.constant 3 : i32
    %dma_start3A_3 = arith.constant 0 : i32
    %dma_start3A_4 = tpu.memref_slice %arg2[%dma_start3A, %mul3A_2, %dma_start3A_3] : memref<156x256x512xf32, #tpu.memory_space<hbm>> -> memref<9x8x512xf32, #tpu.memory_space<hbm>>
    %dma_start3A_5 = arith.constant 3 : i32
    %dma_start3A_6 = arith.constant 0 : i32
    %dma_start3A_7 = tpu.memref_slice %arg2[%dma_start3A_5, %mul3A_2, %dma_start3A_6] : memref<156x256x512xf32, #tpu.memory_space<hbm>> -> memref<9x8x512xf32, #tpu.memory_space<hbm>>
    tpu.enqueue_dma source(%dma_start3A_7 : memref<9x8x512xf32, #tpu.memory_space<hbm>>) target(%arg4 : memref<9x8x512xf32, #tpu.memory_space<vmem>>) target_semaphore(%arg6 : memref<!tpu.dma_semaphore, #tpu.memory_space<semaphore_mem>>)
    %dma_wait3A = arith.constant 3 : i32
    %dma_wait3A_8 = arith.constant 0 : i32
    %dma_wait3A_9 = tpu.memref_slice %arg2[%dma_wait3A, %mul3A_2, %dma_wait3A_8] : memref<156x256x512xf32, #tpu.memory_space<hbm>> -> memref<9x8x512xf32, #tpu.memory_space<hbm>>
    %dma_wait3A_10 = arith.constant 3 : i32
    %dma_wait3A_11 = arith.constant 0 : i32
    %dma_wait3A_12 = tpu.memref_slice %arg2[%dma_wait3A_10, %mul3A_2, %dma_wait3A_11] : memref<156x256x512xf32, #tpu.memory_space<hbm>> -> memref<9x8x512xf32, #tpu.memory_space<hbm>>
    tpu.wait_dma2 semaphore(%arg6 : memref<!tpu.dma_semaphore, #tpu.memory_space<semaphore_mem>>) src(%dma_wait3A_12 : memref<9x8x512xf32, #tpu.memory_space<hbm>>) dst(%arg4 : memref<9x8x512xf32, #tpu.memory_space<vmem>>)
    %dma_start3A_13 = arith.constant 3 : i32
    %dma_start3A_14 = arith.constant 0 : i32
    %dma_start3A_15 = tpu.memref_slice %arg3[%dma_start3A_13, %mul3A_2, %dma_start3A_14] : memref<156x256x512xf32, #tpu.memory_space<hbm>> -> memref<9x8x512xf32, #tpu.memory_space<hbm>>
    %dma_start3A_16 = arith.constant 3 : i32
    %dma_start3A_17 = arith.constant 0 : i32
    %dma_start3A_18 = tpu.memref_slice %arg3[%dma_start3A_16, %mul3A_2, %dma_start3A_17] : memref<156x256x512xf32, #tpu.memory_space<hbm>> -> memref<9x8x512xf32, #tpu.memory_space<hbm>>
    tpu.enqueue_dma source(%arg4 : memref<9x8x512xf32, #tpu.memory_space<vmem>>) target(%dma_start3A_18 : memref<9x8x512xf32, #tpu.memory_space<hbm>>) target_semaphore(%arg7 : memref<!tpu.dma_semaphore, #tpu.memory_space<semaphore_mem>>)
    %scan3A = arith.constant 0 : i32
    %scan3A_19 = arith.constant 0 : i32
    %scan3A_20 = arith.constant 256 : i32
    %scan3A_21 = arith.addi %scan3A_19, %scan3A_20 : i32
    %scan3A_22 = arith.constant 1 : i32
    scf.for %scan3A_42 = %scan3A_19 to %scan3A_21 step %scan3A_22  : i32 {
      %jit3A = arith.constant 32 : i32
      %div3A = arith.divsi %scan3A_42, %jit3A : i32
      %sign3A = arith.constant 0 : i32
      %sign3A_43 = arith.cmpi sgt, %scan3A_42, %sign3A : i32
      %sign3A_44 = arith.extui %sign3A_43 : i1 to i32
      %sign3A_45 = arith.constant 0 : i32
      %sign3A_46 = arith.cmpi slt, %scan3A_42, %sign3A_45 : i32
      %sign3A_47 = arith.extui %sign3A_46 : i1 to i32
      %sign3A_48 = arith.subi %sign3A_44, %sign3A_47 : i32
      %sign3A_49 = arith.constant 0 : i32
      %sign3A_50 = arith.cmpi sgt, %jit3A, %sign3A_49 : i32
      %sign3A_51 = arith.extui %sign3A_50 : i1 to i32
      %sign3A_52 = arith.constant 0 : i32
      %sign3A_53 = arith.cmpi slt, %jit3A, %sign3A_52 : i32
      %sign3A_54 = arith.extui %sign3A_53 : i1 to i32
      %sign3A_55 = arith.subi %sign3A_51, %sign3A_54 : i32
      %ne3A = arith.cmpi ne, %sign3A_48, %sign3A_55 : i32
      %rem3A = arith.remsi %scan3A_42, %jit3A : i32
      %ne3A_56 = arith.constant 0 : i32
      %ne3A_57 = arith.cmpi ne, %rem3A, %ne3A_56 : i32
      %and3A = arith.andi %ne3A, %ne3A_57 : i1
      %sub3A = arith.constant 1 : i32
      %sub3A_58 = arith.subi %div3A, %sub3A : i32
      %select_n3A = arith.select %and3A, %sub3A_58, %div3A : i32
      %jit3A_59 = arith.constant 32 : i32
      %eq3A = arith.constant 0 : i32
      %eq3A_60 = arith.cmpi eq, %jit3A_59, %eq3A : i32
      %jit3A_61 = arith.constant 1 : i32
      %select_n3A_62 = arith.select %eq3A_60, %jit3A_61, %jit3A_59 : i32
      %rem3A_63 = arith.remsi %scan3A_42, %select_n3A_62 : i32
      %ne3A_64 = arith.constant 0 : i32
      %ne3A_65 = arith.cmpi ne, %rem3A_63, %ne3A_64 : i32
      %lt3A = arith.constant 0 : i32
      %lt3A_66 = arith.cmpi slt, %rem3A_63, %lt3A : i32
      %lt3A_67 = arith.constant 0 : i32
      %lt3A_68 = arith.cmpi slt, %select_n3A_62, %lt3A_67 : i32
      %ne3A_69 = arith.xori %lt3A_66, %lt3A_68 : i1
      %and3A_70 = arith.andi %ne3A_69, %ne3A_65 : i1
      %add3A_71 = arith.addi %rem3A_63, %select_n3A_62 : i32
      %select_n3A_72 = arith.select %and3A_70, %add3A_71, %rem3A_63 : i32
      %mul3A_73 = arith.constant 16 : i32
      %mul3A_74 = arith.muli %select_n3A_72, %mul3A_73 : i32
      %get3A = arith.constant 0 : i32
      %get3A_75 = arith.index_cast %get3A : i32 to index
      %get3A_76 = arith.index_cast %select_n3A : i32 to index
      %get3A_77 = arith.index_cast %mul3A_74 : i32 to index
      %get3A_78 = tpu.vector_load %arg4[%get3A_75, %get3A_76, %get3A_77] {strides = array<i32>} : memref<9x8x512xf32, #tpu.memory_space<vmem>>, vector<1x1x16xf32>,
      %get3A_79 = vector.shape_cast %get3A_78 : vector<1x1x16xf32> to vector<16xf32>
      %get3A_80 = arith.constant 3 : i32
      %get3A_81 = arith.index_cast %get3A_80 : i32 to index
      %get3A_82 = arith.index_cast %select_n3A : i32 to index
      %get3A_83 = arith.index_cast %mul3A_74 : i32 to index
      %get3A_84 = tpu.vector_load %arg4[%get3A_81, %get3A_82, %get3A_83] {strides = array<i32>} : memref<9x8x512xf32, #tpu.memory_space<vmem>>, vector<1x1x16xf32>,
      %get3A_85 = vector.shape_cast %get3A_84 : vector<1x1x16xf32> to vector<16xf32>
      %add3A_86 = arith.addf %get3A_79, %get3A_85 : vector<16xf32>
      %get3A_87 = arith.constant 6 : i32
      %get3A_88 = arith.index_cast %get3A_87 : i32 to index
      %get3A_89 = arith.index_cast %select_n3A : i32 to index
      %get3A_90 = arith.index_cast %mul3A_74 : i32 to index
      %get3A_91 = tpu.vector_load %arg4[%get3A_88, %get3A_89, %get3A_90] {strides = array<i32>} : memref<9x8x512xf32, #tpu.memory_space<vmem>>, vector<1x1x16xf32>,
      %get3A_92 = vector.shape_cast %get3A_91 : vector<1x1x16xf32> to vector<16xf32>
      %add3A_93 = arith.addf %add3A_86, %get3A_92 : vector<16xf32>
      %mul3A_94 = arith.constant 0.333333343 : f32
      %mul3A_95 = vector.broadcast %mul3A_94 : f32 to vector<16xf32>
      %mul3A_96 = arith.mulf %add3A_93, %mul3A_95 : vector<16xf32>
      %swap3A = arith.constant 0 : i32
      %swap3A_97 = arith.index_cast %swap3A : i32 to index
      %swap3A_98 = arith.index_cast %select_n3A : i32 to index
      %swap3A_99 = arith.index_cast %mul3A_74 : i32 to index
      %swap3A_100 = tpu.vector_load %arg5[%swap3A_97, %swap3A_98, %swap3A_99] {strides = array<i32>} : memref<3x8x512xf32, #tpu.memory_space<vmem>>, vector<1x1x16xf32>,
      %swap3A_101 = vector.shape_cast %swap3A_100 : vector<1x1x16xf32> to vector<16xf32>
      %swap3A_102 = vector.shape_cast %mul3A_96 : vector<16xf32> to vector<1x1x16xf32>
      tpu.vector_store %arg5[%swap3A_97, %swap3A_98, %swap3A_99], %swap3A_102 {strides = array<i32>} : memref<3x8x512xf32, #tpu.memory_space<vmem>>, vector<1x1x16xf32>,
      %get3A_103 = arith.constant 1 : i32
      %get3A_104 = arith.index_cast %get3A_103 : i32 to index
      %get3A_105 = arith.index_cast %select_n3A : i32 to index
      %get3A_106 = arith.index_cast %mul3A_74 : i32 to index
      %get3A_107 = tpu.vector_load %arg4[%get3A_104, %get3A_105, %get3A_106] {strides = array<i32>} : memref<9x8x512xf32, #tpu.memory_space<vmem>>, vector<1x1x16xf32>,
      %get3A_108 = vector.shape_cast %get3A_107 : vector<1x1x16xf32> to vector<16xf32>
      %get3A_109 = arith.constant 4 : i32
      %get3A_110 = arith.index_cast %get3A_109 : i32 to index
      %get3A_111 = arith.index_cast %select_n3A : i32 to index
      %get3A_112 = arith.index_cast %mul3A_74 : i32 to index
      %get3A_113 = tpu.vector_load %arg4[%get3A_110, %get3A_111, %get3A_112] {strides = array<i32>} : memref<9x8x512xf32, #tpu.memory_space<vmem>>, vector<1x1x16xf32>,
      %get3A_114 = vector.shape_cast %get3A_113 : vector<1x1x16xf32> to vector<16xf32>
      %add3A_115 = arith.addf %get3A_108, %get3A_114 : vector<16xf32>
      %get3A_116 = arith.constant 7 : i32
      %get3A_117 = arith.index_cast %get3A_116 : i32 to index
      %get3A_118 = arith.index_cast %select_n3A : i32 to index
      %get3A_119 = arith.index_cast %mul3A_74 : i32 to index
      %get3A_120 = tpu.vector_load %arg4[%get3A_117, %get3A_118, %get3A_119] {strides = array<i32>} : memref<9x8x512xf32, #tpu.memory_space<vmem>>, vector<1x1x16xf32>,
      %get3A_121 = vector.shape_cast %get3A_120 : vector<1x1x16xf32> to vector<16xf32>
      %add3A_122 = arith.addf %add3A_115, %get3A_121 : vector<16xf32>
      %mul3A_123 = arith.constant 0.333333343 : f32
      %mul3A_124 = vector.broadcast %mul3A_123 : f32 to vector<16xf32>
      %mul3A_125 = arith.mulf %add3A_122, %mul3A_124 : vector<16xf32>
      %swap3A_126 = arith.constant 1 : i32
      %swap3A_127 = arith.index_cast %swap3A_126 : i32 to index
      %swap3A_128 = arith.index_cast %select_n3A : i32 to index
      %swap3A_129 = arith.index_cast %mul3A_74 : i32 to index
      %swap3A_130 = tpu.vector_load %arg5[%swap3A_127, %swap3A_128, %swap3A_129] {strides = array<i32>} : memref<3x8x512xf32, #tpu.memory_space<vmem>>, vector<1x1x16xf32>,
      %swap3A_131 = vector.shape_cast %swap3A_130 : vector<1x1x16xf32> to vector<16xf32>
      %swap3A_132 = vector.shape_cast %mul3A_125 : vector<16xf32> to vector<1x1x16xf32>
      tpu.vector_store %arg5[%swap3A_127, %swap3A_128, %swap3A_129], %swap3A_132 {strides = array<i32>} : memref<3x8x512xf32, #tpu.memory_space<vmem>>, vector<1x1x16xf32>,
      %get3A_133 = arith.constant 2 : i32
      %get3A_134 = arith.index_cast %get3A_133 : i32 to index
      %get3A_135 = arith.index_cast %select_n3A : i32 to index
      %get3A_136 = arith.index_cast %mul3A_74 : i32 to index
      %get3A_137 = tpu.vector_load %arg4[%get3A_134, %get3A_135, %get3A_136] {strides = array<i32>} : memref<9x8x512xf32, #tpu.memory_space<vmem>>, vector<1x1x16xf32>,
      %get3A_138 = vector.shape_cast %get3A_137 : vector<1x1x16xf32> to vector<16xf32>
      %get3A_139 = arith.constant 5 : i32
      %get3A_140 = arith.index_cast %get3A_139 : i32 to index
      %get3A_141 = arith.index_cast %select_n3A : i32 to index
      %get3A_142 = arith.index_cast %mul3A_74 : i32 to index
      %get3A_143 = tpu.vector_load %arg4[%get3A_140, %get3A_141, %get3A_142] {strides = array<i32>} : memref<9x8x512xf32, #tpu.memory_space<vmem>>, vector<1x1x16xf32>,
      %get3A_144 = vector.shape_cast %get3A_143 : vector<1x1x16xf32> to vector<16xf32>
      %add3A_145 = arith.addf %get3A_138, %get3A_144 : vector<16xf32>
      %get3A_146 = arith.constant 8 : i32
      %get3A_147 = arith.index_cast %get3A_146 : i32 to index
      %get3A_148 = arith.index_cast %select_n3A : i32 to index
      %get3A_149 = arith.index_cast %mul3A_74 : i32 to index
      %get3A_150 = tpu.vector_load %arg4[%get3A_147, %get3A_148, %get3A_149] {strides = array<i32>} : memref<9x8x512xf32, #tpu.memory_space<vmem>>, vector<1x1x16xf32>,
      %get3A_151 = vector.shape_cast %get3A_150 : vector<1x1x16xf32> to vector<16xf32>
      %add3A_152 = arith.addf %add3A_145, %get3A_151 : vector<16xf32>
      %mul3A_153 = arith.constant 0.333333343 : f32
      %mul3A_154 = vector.broadcast %mul3A_153 : f32 to vector<16xf32>
      %mul3A_155 = arith.mulf %add3A_152, %mul3A_154 : vector<16xf32>
      %swap3A_156 = arith.constant 2 : i32
      %swap3A_157 = arith.index_cast %swap3A_156 : i32 to index
      %swap3A_158 = arith.index_cast %select_n3A : i32 to index
      %swap3A_159 = arith.index_cast %mul3A_74 : i32 to index
      %swap3A_160 = tpu.vector_load %arg5[%swap3A_157, %swap3A_158, %swap3A_159] {strides = array<i32>} : memref<3x8x512xf32, #tpu.memory_space<vmem>>, vector<1x1x16xf32>,
      %swap3A_161 = vector.shape_cast %swap3A_160 : vector<1x1x16xf32> to vector<16xf32>
      %swap3A_162 = vector.shape_cast %mul3A_155 : vector<16xf32> to vector<1x1x16xf32>
      tpu.vector_store %arg5[%swap3A_157, %swap3A_158, %swap3A_159], %swap3A_162 {strides = array<i32>} : memref<3x8x512xf32, #tpu.memory_space<vmem>>, vector<1x1x16xf32>,
    }
    %scan3A_23 = arith.constant 256 : i32
    %dma_start3A_24 = arith.constant 0 : i32
    %dma_start3A_25 = arith.constant 0 : i32
    %dma_start3A_26 = tpu.memref_slice %arg3[%dma_start3A_24, %mul3A_2, %dma_start3A_25] : memref<156x256x512xf32, #tpu.memory_space<hbm>> -> memref<3x8x512xf32, #tpu.memory_space<hbm>>
    %dma_start3A_27 = arith.constant 0 : i32
    %dma_start3A_28 = arith.constant 0 : i32
    %dma_start3A_29 = tpu.memref_slice %arg3[%dma_start3A_27, %mul3A_2, %dma_start3A_28] : memref<156x256x512xf32, #tpu.memory_space<hbm>> -> memref<3x8x512xf32, #tpu.memory_space<hbm>>
    tpu.enqueue_dma source(%arg5 : memref<3x8x512xf32, #tpu.memory_space<vmem>>) target(%dma_start3A_29 : memref<3x8x512xf32, #tpu.memory_space<hbm>>) target_semaphore(%arg8 : memref<!tpu.dma_semaphore, #tpu.memory_space<semaphore_mem>>)
    %dma_wait3A_30 = arith.constant 0 : i32
    %dma_wait3A_31 = arith.constant 0 : i32
    %dma_wait3A_32 = tpu.memref_slice %arg3[%dma_wait3A_30, %mul3A_2, %dma_wait3A_31] : memref<156x256x512xf32, #tpu.memory_space<hbm>> -> memref<3x8x512xf32, #tpu.memory_space<hbm>>
    %dma_wait3A_33 = arith.constant 0 : i32
    %dma_wait3A_34 = arith.constant 0 : i32
    %dma_wait3A_35 = tpu.memref_slice %arg3[%dma_wait3A_33, %mul3A_2, %dma_wait3A_34] : memref<156x256x512xf32, #tpu.memory_space<hbm>> -> memref<3x8x512xf32, #tpu.memory_space<hbm>>
    tpu.wait_dma2 semaphore(%arg8 : memref<!tpu.dma_semaphore, #tpu.memory_space<semaphore_mem>>) src(%arg5 : memref<3x8x512xf32, #tpu.memory_space<vmem>>) dst(%dma_wait3A_35 : memref<3x8x512xf32, #tpu.memory_space<hbm>>)
    %dma_wait3A_36 = arith.constant 3 : i32
    %dma_wait3A_37 = arith.constant 0 : i32
    %dma_wait3A_38 = tpu.memref_slice %arg3[%dma_wait3A_36, %mul3A_2, %dma_wait3A_37] : memref<156x256x512xf32, #tpu.memory_space<hbm>> -> memref<9x8x512xf32, #tpu.memory_space<hbm>>
    %dma_wait3A_39 = arith.constant 3 : i32
    %dma_wait3A_40 = arith.constant 0 : i32
    %dma_wait3A_41 = tpu.memref_slice %arg3[%dma_wait3A_39, %mul3A_2, %dma_wait3A_40] : memref<156x256x512xf32, #tpu.memory_space<hbm>> -> memref<9x8x512xf32, #tpu.memory_space<hbm>>
    tpu.wait_dma2 semaphore(%arg7 : memref<!tpu.dma_semaphore, #tpu.memory_space<semaphore_mem>>) src(%arg4 : memref<9x8x512xf32, #tpu.memory_space<vmem>>) dst(%dma_wait3A_41 : memref<9x8x512xf32, #tpu.memory_space<hbm>>)
    return
  }
}

module attributes {stable_mosaic.version = 14 : i64} {
  func.func @_tc_body(%arg0: i32, %arg1: memref<12x256x512xf32, #tpu.memory_space<vmem>>, %arg2: memref<156x256x512xf32, #tpu.memory_space<any>>, %arg3: memref<12x256x512xf32, #tpu.memory_space<vmem>>) attributes {dimension_semantics = [#tpu.dimension_semantics<arbitrary>], iteration_bounds = array<i64: 12>, scalar_prefetch = 0 : i64, scratch_operands = 0 : i64, tpu.core_type = #tpu.core_type<tc>, window_params = [{transform_indices = @transform_0, window_bounds = array<i64: 12, 256, 512>}, {}, {transform_indices = @transform_2, window_bounds = array<i64: 12, 256, 512>}]} {
    %get3A = arith.constant 0 : index
    %get3A_0 = arith.constant 0 : index
    %get3A_1 = arith.constant 0 : index
    %get3A_2 = vector.load %arg1[%get3A, %get3A_0, %get3A_1] : memref<12x256x512xf32, #tpu.memory_space<vmem>>, vector<12x256x512xf32>
    %swap3A = arith.constant 0 : index
    %swap3A_3 = arith.constant 0 : index
    %swap3A_4 = arith.constant 0 : index
    %swap3A_5 = vector.load %arg3[%swap3A, %swap3A_3, %swap3A_4] : memref<12x256x512xf32, #tpu.memory_space<vmem>>, vector<12x256x512xf32>
    tpu.vector_store %arg3[%swap3A, %swap3A_3, %swap3A_4], %get3A_2 {strides = array<i32>} : memref<12x256x512xf32, #tpu.memory_space<vmem>>, vector<12x256x512xf32>,
    return
  }
  func.func @transform_0(%arg0: i32) -> (i32, i32, i32) {
    %add3A = arith.constant 1 : i32
    %add3A_0 = arith.addi %arg0, %add3A : i32
    %c0_i32 = arith.constant 0 : i32
    %c0_i32_1 = arith.constant 0 : i32
    %c0_i32_2 = arith.constant 0 : i32
    return %add3A_0, %c0_i32, %c0_i32_1 : i32, i32, i32
  }
  func.func @transform_2(%arg0: i32) -> (i32, i32, i32) {
    %add3A = arith.constant 1 : i32
    %add3A_0 = arith.addi %arg0, %add3A : i32
    %c0_i32 = arith.constant 0 : i32
    %c0_i32_1 = arith.constant 0 : i32
    %c0_i32_2 = arith.constant 0 : i32
    return %add3A_0, %c0_i32, %c0_i32_1 : i32, i32, i32
  }
}

</mosaic_0001>

<sc_bundles>
// kernel: kernel.4.cloned.1.call-start
scs
__scs_entry_jumppad:
0x0: {  	(pc) =	sbr.rel $0x88, $3  }
0x1: {  	(tag) =	ssettag $0x0;
	lr =	simm.s32 $0x1  }
0x2: {  	[smem:$0x3FA0] =	sst lr;
	_ =	strace $0xD0000000  }
0x3: {  	_ = 	snop  }
0x4: {  	_ = 	snop  }
0x5: {  	_ = 	snop  }
0x6: {  	_ = 	snop  }
0x7: {  	_ = 	snop  }
__scs_overlays_trampoline_lowered:
0x8: {  	[smem:$0x3FAF] =	sst s0  }
0x9: {  	[smem:$0x3FB0] =	sst s1  }
0xa: {  	[smem:$0x3FB1] =	sst s2  }
0xb: {  	[smem:$0x3FB2] =	sst s3  }
0xc: {  	[smem:$0x3FB3] =	sst s4  }
0xd: {  	[smem:$0x3FB4] =	sst s5  }
0xe: {  	[smem:$0x3FB5] =	sst s6  }
0xf: {  	[smem:$0x3FB6] =	sst s7  }
0x10: {  	[smem:$0x3FB7] =	sst s8  }
0x11: {  	[smem:$0x3FB8] =	sst s9;
	s0 =	simm.s32 @!p0 $0x0  }
0x12: {  	s1 =	sld [smem:$0x3F9E];
	s0 =	simm.s32 @p0 $0x1  }
0x13: {  	[smem:$0x3FB9] =	sst s0;
	s0 =	simm.s32 @!p1 $0x0  }
0x14: {  	s2 =	sld [smem:$0x3F9D];
	s0 =	simm.s32 @p1 $0x1  }
0x15: {  	[smem:$0x3FBA] =	sst s0;
	s0 =	simm.s32 @!p2 $0x0  }
0x16: {  	s3 =	sld [smem:$0x3FDB];
	s0 =	simm.s32 @p2 $0x1  }
0x17: {  	s4 =	simm.s32 $0x1BF5;
	[smem:$0x3FBC] =	sst s0  }
0x18: {  	s0 =	sld [smem:$0x3F9F];
	_ =	swait.ge [sflag:s4], $0x0  }
0x19: {  	s7 =	sld [smem:$0x3FA0]  }
0x1a: {  	s8 =	sadd.s32 $0xFFFFE003, lr  }
0x1b: {  	s9 =	sadd.s32 $0xFFFFFEF7, lr;
	s5 =	simm.s32 $0xFFFFFFFF;
	p2 =	slt.u32 s8, $0xFFFFF086  }
0x1c: {  	p1 =	slt.u32 s9, $0xF7A;
	s5 =	simm.s32 @!p2 $0x0  }
0x1d: {  	s5 =	simm.s32 @p1 $0x1;
	p0 =	seq.s32 s7, s2  }
0x1e: {  	s7 =	smul.u32 @!p0 $0xF7A, s2;
	p2 =	seq.s32 @!p0 s5, $0x0  }
0x1f: {  	s9 =	smul.u32 $0xF7A, s1;
	s8 =	simm.s32 @!p0 $0x1BF5;
	p2 =	por !p2, p0  }
0x20: {  	[sflag:s8] =	ssyncset.s32 @!p0 $0xFFFFF086;
	s6 =	sadd.s32 @!p0 s3, s7;
	s7 =	simm.s32 @!p0 $0x108  }
0x21: {  	s3 =	sadd.s32 s3, s9;
	s6 =	sadd.s32 @!p0 $0x88, s6;
	s7 =	simm.s32 @p2 $0x1082  }
0x22: {  	[simem:s7], [sflag:s8] =	dma.local @!p0 [hbm:s6], $0xF7A  }
0x23: {  	s9 =	sor.u32 $0xD0000000, s2;
	s6 =	simm.s32 $0x108;
	_ =	swait.ge @!p0 [sflag:s8], $0x0  }
0x24: {  	s3 =	sadd.s32 $0x88, s3;
	s6 =	simm.s32 @!p1 $0x1082;
	[sflag:s4] =	ssyncset.s32 $0xFFFFF086  }
0x25: {  	[simem:s6], [sflag:s4] =	dma.local [hbm:s3], $0xF7A  }
0x26: {  	[smem:$0x3FA0] =	sst s1;
	(tag) =	ssettag s2;
	_ =	strace s9  }
0x27: {  	s1 =	sld [smem:$0x3FB0]  }
0x28: {  	s2 =	sld [smem:$0x3FB1]  }
0x29: {  	s4 =	sld [smem:$0x3FB3]  }
0x2a: {  	p0 =	seq.s32 s5, $0x0;
	s5 =	sld [smem:$0x3FB4]  }
0x2b: {  	s6 =	sld [smem:$0x3FB5]  }
0x2c: {  	s7 =	sld [smem:$0x3FB6]  }
0x2d: {  	s3 =	simm.s32 $0x108;
	s8 =	sld [smem:$0x3FB7]  }
0x2e: {  	s3 =	simm.s32 @!p0 $0x1082;
	s9 =	sld [smem:$0x3FB8]  }
0x2f: {  	lr =	sadd.s32 s0, s3;
	s0 =	sld [smem:$0x3FAF]  }
0x30: {  	s3 =	sld [smem:$0x3FB2]  }
0x31: {  	[smem:$0x3FBB] =	sst s10  }
0x32: {  	s10 =	sld [smem:$0x3FB9];
	_ =	sdelay $0x3  }
0x33: {  	p0 =	seq.s32 s10, $0x1;
	s10 =	sld [smem:$0x3FBB];
	_ =	sdelay $0x3  }
0x34: {  	[smem:$0x3FBB] =	sst s10  }
0x35: {  	s10 =	sld [smem:$0x3FBA];
	_ =	sdelay $0x3  }
0x36: {  	p1 =	seq.s32 s10, $0x1;
	s10 =	sld [smem:$0x3FBB];
	_ =	sdelay $0x3  }
0x37: {  	[smem:$0x3FBB] =	sst s10  }
0x38: {  	s10 =	sld [smem:$0x3FBC]  }
0x39: {  	_ = 	snop;
	(pc) =	sbr.ind lr, $3  }
0x3a: {  	_ = 	snop  }
0x3b: {  	_ = 	snop  }
0x3c: {  	p2 =	seq.s32 s10, $0x1;
	s10 =	sld [smem:$0x3FBB]  }
0x3d: {  	_ =	shalt  }
0x3e: {  	_ =	shalt  }
0x3f: {  	_ =	shalt  }
0x40: {  	_ =	shalt  }
0x41: {  	_ =	shalt  }
0x42: {  	_ =	shalt  }
0x43: {  	_ =	shalt  }
0x44: {  	_ =	shalt  }
0x45: {  	_ =	shalt  }
0x46: {  	_ =	shalt  }
0x47: {  	_ =	shalt  }
0x48: {  	_ =	shalt  }
0x49: {  	_ =	shalt  }
0x4a: {  	_ =	shalt  }
0x4b: {  	_ =	shalt  }
0x4c: {  	_ =	shalt  }
0x4d: {  	_ =	shalt  }
0x4e: {  	_ =	shalt  }
0x4f: {  	_ =	shalt  }
0x50: {  	_ =	shalt  }
0x51: {  	_ =	shalt  }
0x52: {  	_ =	shalt  }
0x53: {  	_ =	shalt  }
0x54: {  	_ =	shalt  }
0x55: {  	_ =	shalt  }
0x56: {  	_ =	shalt  }
0x57: {  	_ =	shalt  }
0x58: {  	_ =	shalt  }
0x59: {  	_ =	shalt  }
0x5a: {  	_ =	shalt  }
0x5b: {  	_ =	shalt  }
0x5c: {  	_ =	shalt  }
0x5d: {  	_ =	shalt  }
0x5e: {  	_ =	shalt  }
0x5f: {  	_ =	shalt  }
0x60: {  	_ =	shalt  }
0x61: {  	_ =	shalt  }
0x62: {  	_ =	shalt  }
0x63: {  	_ =	shalt  }
0x64: {  	_ =	shalt  }
0x65: {  	_ =	shalt  }
0x66: {  	_ =	shalt  }
0x67: {  	_ =	shalt  }
0x68: {  	_ =	shalt  }
0x69: {  	_ =	shalt  }
0x6a: {  	_ =	shalt  }
0x6b: {  	_ =	shalt  }
0x6c: {  	_ =	shalt  }
0x6d: {  	_ =	shalt  }
0x6e: {  	_ =	shalt  }
0x6f: {  	_ =	shalt  }
0x70: {  	_ =	shalt  }
0x71: {  	_ =	shalt  }
0x72: {  	_ =	shalt  }
0x73: {  	_ =	shalt  }
0x74: {  	_ =	shalt  }
0x75: {  	_ =	shalt  }
0x76: {  	_ =	shalt  }
0x77: {  	_ =	shalt  }
0x78: {  	_ =	shalt  }
0x79: {  	_ =	shalt  }
0x7a: {  	_ =	shalt  }
0x7b: {  	_ =	shalt  }
0x7c: {  	_ =	shalt  }
0x7d: {  	_ =	shalt  }
0x7e: {  	_ =	shalt  }
0x7f: {  	_ =	shalt  }
0x80: {  	_ =	shalt  }
0x81: {  	_ =	shalt  }
0x82: {  	_ =	shalt  }
0x83: {  	_ =	shalt  }
0x84: {  	_ =	shalt  }
0x85: {  	_ =	shalt  }
0x86: {  	_ =	shalt  }
0x87: {  	_ =	shalt  }
.Lfunc_end0:
.L_simem_size_0:
called_computation_lowered:
.L_overlay_start_0:
0x88: {  	s2 =	sld [smem:$0x3FD9]  }
0x89: {  	s3 =	sld [smem:$0x3FFE];
	_ =	sdelay $0x1  }
0x8a: {  	s1 =	srdreg.scid  }
0x8b: {  	s0 =	sand.u32 $0x1, s1  }
0x8c: {  	s18 =	sshll.u32 s0, $0xA;
	s2 =	sadd.s32 s3, s2  }
0x8d: {  	s2 =	sadd.s32 s2, s18  }
0x8e: {  	[smem:$0x3FC7] =	sst s2  }
0x8f: {  	_ = 	snop  }
0x90: {  	s2 =	sld [smem:$0x3FC9]  }
0x91: {  	s19 =	sld [smem:$0x3FD0];
	(tm) =	ssettm $0x1  }
0x92: {  	s4 =	sld [smem:$0x3FFB];
	_ =	sdelay $0x3  }
0x93: {  	_ =	strace s4  }
0x94: {  	s4 =	sld [smem:$0x3FFC];
	_ =	sdelay $0x3  }
0x95: {  	_ =	strace s4  }
0x96: {  	s4 =	sld [smem:$0x3FFD];
	_ =	sdelay $0x3  }
0x97: {  	_ =	strace s4  }
0x98: {  	_ =	strace $0x8FFFFFFF  }
0x99: {  	s20 =	sld [smem:$0x3FDB];
	_ =	sdelay $0x1  }
0x9a: {  	s5 =	simm.s32 $_scs_section_size  }
0x9b: {  	s6 =	simm.s32 $_size__tile_overlayer_lowered;
	s7 =	simm.s32 $_tile_overlayer_lowered  }
0x9c: {  	s23 =	simm.s32 $0x1BFF;
	s22 =	sshll.u32 s7, $0x1;
	s4 =	sadd.s32 s5, s20  }
0x9d: {  	s8 =	simm.s32 $0x0;
	s21 =	sshll.u32 s6, $0x1;
	s6 =	sadd.s32 s22, s4  }
0x9e: {  	[timem:s8], [sflag:s23] =	dma.local [hbm:s6], s21  }
0x9f: {  	_ =	swait.ge [sflag:s23], s21  }
0xa0: {  	s5 =	ssub.s32 $0x0, s21;
	[sflag:s23] =	ssyncset.done $0x0  }
0xa1: {  	[sflag:s23] =	ssyncadd.s32 s5;
	_ =	sdelay $0x1  }
0xa2: {  	s24 =	simm.s32 $0x1B8B  }
0xa3: {  	_ =	swait.ge [sflag:s24], $0x1  }
0xa4: {  	[sflag:s24] =	ssyncset.done $0x0  }
0xa5: {  	s25 =	simm.s32 $0x1B8E;
	[sflag:s24] =	ssyncadd.s32 $0xFFFFFFFF  }
0xa6: {  	s26 =	simm.s32 $execute0_lowered;
	[smem:$0x3FD2] =	sst s25  }
0xa7: {  	s5 =	sshll.u32 s26, $0x1;
	_ =	strace $0x80000046;
	[dreg:$0x1] =	wrdreg $0xFFFFFFFF  }
0xa8: {  	s28 =	simm.s32 $_size_execute0_lowered;
	s4 =	sadd.s32 s4, s5;
	[dreg:$0x0] =	wrdreg $0x0  }
0xa9: {  	s5 =	sshll.u32 s28, $0x1;
	[dreg:$0x2] =	wrdreg s4  }
0xaa: {  	[dreg:$0x3] =	wrdreg s5  }
0xab: {  	[dreg:$0x4] =	wrdreg $0xC0  }
0xac: {  	_ =	task [dreg:s8], $0x5FFFF  }
0xad: {  	[dreg:$0x1] =	wrdreg $0xFFFFFFFF  }
0xae: {  	[dreg:$0x0] =	wrdreg $0x60  }
0xaf: {  	[dreg:$0x2] =	wrdreg s2  }
0xb0: {  	[dreg:$0x3] =	wrdreg s19  }
0xb1: {  	[dreg:$0x4] =	wrdreg $0x9  }
0xb2: {  	_ =	task.clear_ibuf [dreg:s8], $0x5FFFF;
	_ =	strace $0x90000046  }
0xb3: {  	s29 =	simm.s32 $0x9;
	_ =	strace $0x80000048  }
0xb4: {  	_ =	swait.ge [sflag:s29], $0x1  }
0xb5: {  	[sflag:s29] =	ssyncadd.s32 $0xFFFFFFFF  }
0xb6: {  	_ =	strace $0x90000048  }
0xb7: {  	_ =	sfence  }
0xb8: {  	s30 =	sld [smem:$0x0];
	_ =	sdelay $0x2  }
0xb9: {  	s31 =	sshll.u32 s1, $0xD;
	s1 =	sshrl.u32 s1, $0x2  }
0xba: {  	s3 =	sand.u32 $0x4000, s31;
	s1 =	sadd.s32 s1, s30  }
0xbb: {  	s0 =	sor.u32 s3, s0;
	s1 =	sshll.u32 s1, $0x11  }
0xbc: {  	s0 =	sor.u32 s1, s0  }
0xbd: {  	s0 =	sadd.s32 $0x8F2B, s0  }
0xbe: {  	[sflag:s0] =	ssyncadd.remote.s32 $0x1  }
0xbf: {  	_ =	sfence.sel $0xFFFF  }
0xc0: {  	[dreg:$0x0] =	wrdreg $0xFFFFFFFF;
	(pc) =	sbr.abs _section_cstart, $3  }
0xc1: {  	[dreg:$0x1] =	wrdreg $0xFFFFFFFF  }
0xc2: {  	_ =	task.clear_ibuf [dreg:s8], $0x2FFFF;
	_ =	strace $0x9FFFFFFF  }
0xc3: {  	(tm) =	ssettm $0x7FFFFFFF  }
tec
execute0_lowered:
.L_overlay_start_1:
0x0: {  	(tag) =	ssettag $0x1  }
0x1: {  	s3 =	rddreg [dreg:$0x0]  }
0x2: {  	s5 =	rddreg [dreg:$0x1];
	s2 =	srdreg.scid  }
0x3: {  	s0 =	rddreg [dreg:$0x2];
	s1 =	stileid.u32;
	s9 =	simm.s32 $0x1  }
0x4: {  	s10 =	simm.s32 $0x9000;
	s11 =	simm.s32 $0x3;
	s12 =	simm.s32 $0x2  }
0x5: {  	s13 =	simm.s32 $0x0;
	s4 =	sand.u32 $0x1, s2;
	s2 =	simm.s32 $0x0  }
0x6: {  	s6 =	sshll.u32 s1, $0xA;
	s7 =	sshll.u32 s4, $0x9;
	s4 =	ssub.s32 $0x2, s4  }
0x7: {  	[smem:$0x7FF] =	sst s2;
	s6 =	sor.u32 s7, s6;
	s31 =	sshrl.u32 s4, $0x1  }
0x8: {  	_ =	strace $0x80000047;
	s8 =	sor.u32 $0xC000, s6;
	s7 =	ssub.s32 s4, s31  }
0x9: {  	s3 =	sadd.s32 s3, s8;
	s4 =	sadd.s32 s5, s8;
	s5 =	sadd.s32 s5, s6  }
0xa: {  	s6 =	smax.u32 s7, $0x1;
	s7 =	simm.s32 $0x1000;
	s8 =	simm.s32 $0x20000  }
.LBB2_1:
0xb: {  	[tilespmem:s2], [sflag:$0x1] =	stream.strided.gather [hbm4b:s3+s7], $0x9000, s8, s7, $0x38;
	[tilespmem:$0xC000] =	vst v63  }
0xc: {  	s14 =	sand.u32 $0xC00, s2;
	s15 =	sand.u32 $0x380, s2;
	_ =	swait.ge [sflag:s9], $0x9000  }
0xd: {  	s16 =	sand.u32 $0x70, s2;
	s14 =	sor.u32 s15, s14;
	[sflag:s9] =	ssyncset.done $0x0  }
0xe: {  	s15 =	sor.u32 s16, s14;
	[sflag:s9] =	ssyncadd.s32 $0xFFFF7000  }
0xf: {  	[hbm4b:s4+s7] =	stream.strided.scatter [tilespmem:s2], [sflag:$0x2], $0x9000, s8, s7, $0x38;
	[tilespmem:$0xC000] =	vst v63  }
0x10: {  	v0 =	vld [tilespmem:s15+$0x2000]  }
0x11: {  	v1 =	vld [tilespmem:s15+$0x5000]  }
0x12: {  	v2 =	vld [tilespmem:s15+$0x0]  }
0x13: {  	v3 =	vld [tilespmem:s15+$0x8000]  }
0x14: {  	v4 =	vld [tilespmem:s15+$0x3000]  }
0x15: {  	s29 =	simm.s32 $0x4;
	s30 =	simm.s32 $0x80;
	v5 =	vld [tilespmem:s15+$0x1000]  }
0x16: {  	s17 =	simm.s32 $0x10;
	s16 =	sand.u32 $0xC00, s30;
	s14 =	sand.u32 $0x380, s29;
	v6 =	vld [tilespmem:s15+$0x4000];
	v0 =	vadd.f32 v1, v0  }
0x17: {  	s17 =	sand.u32 $0x70, s17;
	s14 =	sor.u32 s14, s16;
	v1 =	vld [tilespmem:s15+$0x6000]  }
0x18: {  	s14 =	sor.u32 s17, s14;
	v7 =	vld [tilespmem:s15+$0x7000];
	v0 =	vadd.f32 v3, v0  }
0x19: {  	v8 =	vld [tilespmem:s14+$0x2000]  }
0x1a: {  	v9 =	vld [tilespmem:s14+$0x5000];
	v2 =	vadd.f32 v4, v2;
	v3 =	vmul.f32 $3.333333430e-01, v0  }
0x1b: {  	v4 =	vld [tilespmem:s14+$0x8000];
	v5 =	vadd.f32 v6, v5  }
0x1c: {  	v0 =	vld [tilespmem:s14+$0x0];
	v2 =	vadd.f32 v1, v2;
	[tilespmem:s15+$0xB000] =	vst v3  }
0x1d: {  	v7 =	vadd.f32 v7, v5;
	v3 =	vld [tilespmem:s14+$0x3000]  }
0x1e: {  	s31 =	simm.s32 $0x8;
	s16 =	simm.s32 $0x100;
	v1 =	vld [tilespmem:s14+$0x1000];
	v10 =	vmul.f32 $3.333333430e-01, v2  }
0x1f: {  	s20 =	sand.u32 $0x380, s31;
	s18 =	sand.u32 $0xC00, s16;
	s17 =	simm.s32 $0x20;
	v6 =	vadd.f32 v9, v8;
	v7 =	vmul.f32 $3.333333430e-01, v7;
	v2 =	vld [tilespmem:s14+$0x4000]  }
0x20: {  	s19 =	sand.u32 $0x70, s17;
	s20 =	sor.u32 s20, s18;
	s18 =	simm.s32 $0xC;
	v5 =	vld [tilespmem:s14+$0x6000];
	[tilespmem:s15+$0x9000] =	vst v10  }
.LBB2_2:
0x21: {  	p0 =	sne.s32 s18, $0x3FC;
	v8 =	vld [tilespmem:s14+$0x7000];
	v4 =	vadd.f32 v4, v6;
	[tilespmem:s15+$0xA000] =	vst v7;
	s15 =	smov.u32 s14;
	s14 =	sor.u32 s19, s20  }
0x22: {  	v6 =	vld [tilespmem:s14+$0x2000];
	v3 =	vadd.f32 v3, v0  }
0x23: {  	v7 =	vld [tilespmem:s14+$0x5000];
	v9 =	vmul.f32 $3.333333430e-01, v4  }
0x24: {  	v0 =	vld [tilespmem:s14+$0x0];
	v1 =	vadd.f32 v2, v1  }
.Ltmp0:
0x25: {  	v4 =	vld [tilespmem:s14+$0x8000];
	v2 =	vadd.f32 v5, v3;
	[tilespmem:s15+$0xB000] =	vst v9;
	(pc) =	sbr.rel @p0 .LBB2_2-.Ltmp0, $4  }
0x26: {  	v3 =	vld [tilespmem:s14+$0x3000];
	v5 =	vadd.f32 v8, v1  }
0x27: {  	s16 =	sadd.s32 $0x80, s16;
	v1 =	vld [tilespmem:s14+$0x1000];
	v8 =	vmul.f32 $3.333333430e-01, v2  }
0x28: {  	s21 =	sand.u32 $0x380, s18;
	s17 =	sadd.s32 $0x10, s17;
	s20 =	sand.u32 $0xC00, s16;
	v2 =	vld [tilespmem:s14+$0x4000];
	v6 =	vadd.f32 v7, v6;
	v7 =	vmul.f32 $3.333333430e-01, v5  }
0x29: {  	s18 =	sadd.s32 $0x4, s18;
	s19 =	sand.u32 $0x70, s17;
	s20 =	sor.u32 s21, s20;
	v5 =	vld [tilespmem:s14+$0x6000];
	[tilespmem:s15+$0x9000] =	vst v8  }
0x2a: {  	v8 =	vld [tilespmem:s14+$0x7000];
	s16 =	sor.u32 s19, s20;
	[tilespmem:s15+$0xA000] =	vst v7;
	v4 =	vadd.f32 v4, v6  }
0x2b: {  	v56 =	vld [tilespmem:s16+$0x2000]  }
0x2c: {  	v7 =	vld [tilespmem:s16+$0x5000];
	v0 =	vadd.f32 v3, v0;
	v4 =	vmul.f32 $3.333333430e-01, v4  }
0x2d: {  	v9 =	vld [tilespmem:s16+$0x0]  }
0x2e: {  	v57 =	vld [tilespmem:s16+$0x8000];
	[tilespmem:s14+$0xB000] =	vst v4;
	v0 =	vadd.f32 v5, v0  }
0x2f: {  	v4 =	vld [tilespmem:s16+$0x3000]  }
0x30: {  	v58 =	vld [tilespmem:s16+$0x1000];
	v0 =	vmul.f32 $3.333333430e-01, v0  }
0x31: {  	v10 =	vld [tilespmem:s16+$0x4000]  }
0x32: {  	v11 =	vld [tilespmem:s16+$0x6000];
	[tilespmem:s14+$0x9000] =	vst v0  }
0x33: {  	v59 =	vadd.f32 v2, v1;
	v60 =	vld [tilespmem:s16+$0x7000]  }
0x34: {  	v61 =	vadd.f32 v7, v56  }
0x35: {  	v0 =	vadd.f32 v8, v59;
	v4 =	vadd.f32 v4, v9  }
0x36: {  	v2 =	vadd.f32 v57, v61;
	v62 =	vadd.f32 v10, v58  }
0x37: {  	v0 =	vmul.f32 $3.333333430e-01, v0;
	v4 =	vadd.f32 v11, v4  }
0x38: {  	v2 =	vmul.f32 $3.333333430e-01, v2;
	v1 =	vadd.f32 v60, v62  }
0x39: {  	[tilespmem:s14+$0xA000] =	vst v0;
	v63 =	vmul.f32 $3.333333430e-01, v4  }
0x3a: {  	[tilespmem:s16+$0xB000] =	vst v2;
	v1 =	vmul.f32 $3.333333430e-01, v1  }
0x3b: {  	[tilespmem:s16+$0x9000] =	vst v63  }
0x3c: {  	s13 =	sadd.s32 $0x1, s13;
	[tilespmem:s16+$0xA000] =	vst v1  }
0x3d: {  	[hbm4b:s5+s7] =	stream.strided.scatter [tilespmem:s10], [sflag:$0x3], $0x3000, s8, s7, $0x38;
	[tilespmem:$0xC000] =	vst v63  }
0x3e: {  	p0 =	sne.s32 s13, s6;
	_ =	swait.ge [sflag:s11], $0x3000  }
.Ltmp1:
0x3f: {  	[sflag:s11] =	ssyncset.done $0x0;
	(pc) =	sbr.rel @p0 .LBB2_1-.Ltmp1, $4  }
0x40: {  	[sflag:s11] =	ssyncadd.s32 $0xFFFFD000  }
0x41: {  	_ =	swait.ge [sflag:s12], $0x9000  }
0x42: {  	[sflag:s12] =	ssyncset.done $0x0  }
0x43: {  	[sflag:s12] =	ssyncadd.s32 $0xFFFF7000  }
0x44: {  	_ =	sfence.sel $0x180000  }
0x45: {  	[bflag:$0x0] =	sbarrier.arrive $0xFFFF  }
0x46: {  	p0 =	sne.s32 s1, $0x0;
	_ =	strace $0x90000047  }
0x47: {  	s0 =	sadd.s32 @!p0 $0x100000, s0;
	[bflag:$0x2] =	sbarrier.arrive $0xFFFF  }
0x48: {  	[sflag:s0] =	ssyncadd.tile.s32 @!p0 $0x1;
	_ =	shalt  }
.Lfunc_end2:
_tile_overlayer_lowered:
.L_overlay_start_2:
0x49: {  	(tag) =	ssettag $0x2  }
0x4a: {  	s0 =	rddreg [dreg:$0x0];
	s2 =	stileid.u32  }
0x4b: {  	s1 =	rddreg [dreg:$0x1];
	p0 =	sne.s32 s2, $0x0  }
0x4c: {  	s3 =	rddreg [dreg:$0x2];
	[bflag:$0x3] =	sbarrier.arrive $0xFFFF;
	s2 =	simm.s32 @!p0 $0x1C04  }
0x4d: {  	[timem:s3], [sflag:s2] =	dma.local @!p0 [hbm:s0], s1  }
0x4e: {  	s0 =	simm.s32 @!p0 $0x4  }
0x4f: {  	_ =	swait.ge @!p0 [sflag:s0], s1  }
0x50: {  	s1 =	ssub.s32 @!p0 $0x0, s1;
	[sflag:s0] =	ssyncset.done @!p0 $0x0  }
0x51: {  	[sflag:s0] =	ssyncadd.s32 @!p0 s1  }
0x52: {  	[bflag:$0x3] =	sbarrier.arrive $0xFFFF  }
0x53: {  	_ =	shalt  }

</sc_bundles>
